<compile_context>
chip_gen: v7x
topology: tpu7x:2x2x1
jax: 0.10.2.dev20260603
libtpu: 0.0.44.dev20260713+nightly
codegen_flags: <defaults>
</compile_context>

<pallas_src>
import functools

import jax
import jax.numpy as jnp
from jax import lax
from jax.experimental import pallas as pl
from jax.experimental.pallas import tpu as pltpu
from jax.experimental.pallas import tpu_sc as plsc

_NUM_CODES = 512
_CODE_DIM = 64


def _vq_body(x_ref, cba_ref, cbsq_ref, cb_ref, q_ref, loss_ref, idx_ref):
    b = pl.program_id(0)

    C = x_ref.shape[1]
    xb = x_ref[0].reshape(C, -1)
    cbm2 = cba_ref[...]
    cb_sq = cbsq_ref[...]

    dot = jax.lax.dot_general(
        cbm2, xb, (((1,), (0,)), ((), ())), preferred_element_type=jnp.float32
    )
    scores = dot + cb_sq
    idx = jnp.argmin(scores, axis=0)[None, :]
    idx_ref[0] = idx
    iota = jax.lax.broadcasted_iota(jnp.int32, scores.shape, 0)
    onehot = (iota == idx).astype(jnp.float32)
    q = jax.lax.dot_general(
        cb_ref[...], onehot, (((0,), (0,)), ((), ())),
        preferred_element_type=jnp.float32,
    )
    q_ref[0] = q.reshape(q_ref.shape[1:])

    diff = xb - q
    part_loss = jnp.sum(diff * diff)

    @pl.when(b == 0)
    def _init():
        loss_ref[...] = jnp.zeros_like(loss_ref)

    loss_ref[...] += part_loss.reshape(1, 1)


def _tc_stage(x, codebook):
    B, C, H, W = x.shape
    cb_sq = jnp.sum(codebook * codebook, axis=1, keepdims=True)
    cbm2 = -2.0 * codebook
    grid = (B,)
    return pl.pallas_call(
        _vq_body,
        grid=grid,
        in_specs=[
            pl.BlockSpec((1, C, H, W), lambda b: (b, 0, 0, 0)),
            pl.BlockSpec((_NUM_CODES, _CODE_DIM), lambda b: (0, 0)),
            pl.BlockSpec((_NUM_CODES, 1), lambda b: (0, 0)),
            pl.BlockSpec((_NUM_CODES, _CODE_DIM), lambda b: (0, 0)),
        ],
        out_specs=[
            pl.BlockSpec((1, C, H, W), lambda b: (b, 0, 0, 0)),
            pl.BlockSpec((1, 1), lambda b: (0, 0)),
            pl.BlockSpec((1, 1, H * W), lambda b: (b, 0, 0)),
        ],
        out_shape=[
            jax.ShapeDtypeStruct((B, C, H, W), jnp.float32),
            jax.ShapeDtypeStruct((1, 1), jnp.float32),
            jax.ShapeDtypeStruct((B, 1, H * W), jnp.int32),
        ],
    )(x, cbm2, cb_sq, codebook)


def _make_sc_bincount(B, HW):
    info = plsc.get_sparse_core_info()
    NC, NS = info.num_cores, info.num_subcores
    NW = NC * NS
    assert B == NW, (B, NW)

    mesh = plsc.VectorSubcoreMesh(core_axis_name="c", subcore_axis_name="s")

    @functools.partial(
        pl.kernel,
        mesh=mesh,
        out_type=jax.ShapeDtypeStruct((NC, _NUM_CODES), jnp.float32),
        scratch_types=[
            pltpu.VMEM((HW,), jnp.int32),
            pltpu.VMEM((HW,), jnp.float32),
            pltpu.VMEM((_NUM_CODES,), jnp.float32),
            pltpu.VMEM_SHARED((_NUM_CODES,), jnp.float32),
        ],
    )
    def sc_bincount(idx_hbm, ones_hbm, zeros_hbm, out_hbm, idx_v, ones_v,
                    part_v, shared):
        cid = lax.axis_index("c")
        sid = lax.axis_index("s")
        wid = cid * NS + sid

        @pl.when(sid == 0)
        def _init():
            pltpu.sync_copy(zeros_hbm, part_v)
            pltpu.sync_copy(part_v, shared)

        pltpu.sync_copy(idx_hbm.at[wid, 0], idx_v)
        pltpu.sync_copy(ones_hbm, ones_v)
        plsc.subcore_barrier()
        pltpu.sync_copy(ones_v, shared.at[idx_v], add=True)
        plsc.subcore_barrier()

        @pl.when(sid == 0)
        def _drain():
            pltpu.sync_copy(shared, part_v)
            pltpu.sync_copy(part_v, out_hbm.at[cid])

    return sc_bincount


def kernel(x, codebook):
    B, C, H, W = x.shape
    q, loss_sum, idx = _tc_stage(x, codebook)
    ones = jnp.ones((H * W,), jnp.float32)
    zeros = jnp.zeros((_NUM_CODES,), jnp.float32)
    parts = _make_sc_bincount(B, H * W)(idx, ones, zeros)
    counts = jnp.sum(parts, axis=0)
    mse = loss_sum[0, 0] / x.size
    unique = jnp.sum(counts > 0.0)
    return q, mse, mse, unique

# --- scband reference (transcript-rebuilt; emitter-appended) ---
"""Pipeline reference for scband-vector-quantizer-61005715472983 (READ-ONLY COPY).

The authoritative reference and input builder live on the scoring server;
editing this copy changes nothing except your own understanding.
"""

import jax, jax.numpy as jnp
import numpy as np

NUM_CODES = 512
CODE_DIM = 64

def setup_inputs(seed: int = 0) -> dict:
    key = jax.random.key(seed)
    k1, k2 = jax.random.split(key)
    x = jax.random.normal(k1, (32, 64, 64, 64), dtype=jnp.float32)
    codebook = jax.random.uniform(k2, (NUM_CODES, CODE_DIM), minval=-1.0, maxval=1.0, dtype=jnp.float32)
    return {"x": x, "codebook": codebook}

def reference(x, codebook):
    B, C, H, W = x.shape
    x_flat = jnp.transpose(x, (0, 2, 3, 1)).reshape(-1, C)
    # torch.cdist (euclidean) via expansion: ||a-b|| = sqrt(||a||^2 - 2 a.b + ||b||^2)
    x_sq = jnp.sum(x_flat ** 2, axis=1, keepdims=True)
    cb_sq = jnp.sum(codebook ** 2, axis=1)[None, :]
    d2 = x_sq - 2.0 * (x_flat @ codebook.T) + cb_sq
    distances = jnp.sqrt(jnp.maximum(d2, 0.0))
    indices = jnp.argmin(distances, axis=1)
    quantized = jnp.take(codebook, indices, axis=0).reshape(B, H, W, C)
    quantized = jnp.transpose(quantized, (0, 3, 1, 2))
    commitment_loss = jnp.mean((x - jax.lax.stop_gradient(quantized)) ** 2)
    codebook_loss = jnp.mean((jax.lax.stop_gradient(x) - quantized) ** 2)
    unique_codes = jnp.sum(jnp.bincount(indices, length=NUM_CODES) > 0)
    straight_through = x + jax.lax.stop_gradient(quantized - x)
    return (straight_through, commitment_loss, codebook_loss, unique_codes)

if __name__ == "__main__":
    import jax
    _d = setup_inputs()
    print(jax.jit(kernel)(*tuple(_d.values())))

</pallas_src>

<mosaic_0001>
#map = affine_map<(d0, d1) -> (0, 0, 0)>
#map1 = affine_map<(d0, d1) -> (0)>
#map2 = affine_map<(d0, d1) -> (0, 0)>
module attributes {stable_mosaic.version = 14 : i64} {
  func.func @sc_bincount(%arg0: i32, %arg1: i32, %arg2: memref<32x1x4096xi32, #tpu.memory_space<hbm>>, %arg3: memref<4096xf32, #tpu.memory_space<hbm>>, %arg4: memref<512xf32, #tpu.memory_space<hbm>>, %arg5: memref<2x512xf32, #tpu.memory_space<hbm>>, %arg6: memref<4096xi32, #tpu.memory_space<vmem>>, %arg7: memref<4096xf32, #tpu.memory_space<vmem>>, %arg8: memref<512xf32, #tpu.memory_space<vmem>>, %arg9: memref<512xf32, #tpu.memory_space<vmem_shared>>) attributes {dimension_semantics = [#tpu.dimension_semantics<core_parallel>, #tpu.dimension_semantics<subcore_parallel>], iteration_bounds = array<i64: 2, 16>, scalar_prefetch = 0 : i64, scratch_operands = 4 : i64, tpu.core_type = #tpu.core_type<sc_vector_subcore>, window_params = [{transform_indices = #map}, {transform_indices = #map1}, {transform_indices = #map1}, {transform_indices = #map2}]} {
    %mul3A = arith.constant 16 : i32
    %mul3A_0 = arith.muli %arg0, %mul3A : i32
    %add3A = arith.addi %mul3A_0, %arg1 : i32
    %eq3A = arith.constant 0 : i32
    %eq3A_1 = arith.cmpi eq, %arg1, %eq3A : i32
    %convert_element_type3A = arith.extui %eq3A_1 : i1 to i32
    %cond3A = arith.constant 0 : i32
    %cond3A_2 = arith.cmpi ne, %convert_element_type3A, %cond3A : i32
    scf.if %cond3A_2 {
      "tpu.region"() ({
        %run_scoped3A_9 = tpu.sem_alloc : memref<!tpu.dma_semaphore, #tpu.memory_space<semaphore_mem>>
        tpu.enqueue_dma source(%arg4 : memref<512xf32, #tpu.memory_space<hbm>>) target(%arg8 : memref<512xf32, #tpu.memory_space<vmem>>) target_semaphore(%run_scoped3A_9 : memref<!tpu.dma_semaphore, #tpu.memory_space<semaphore_mem>>)
        tpu.wait_dma2 semaphore(%run_scoped3A_9 : memref<!tpu.dma_semaphore, #tpu.memory_space<semaphore_mem>>) src(%arg4 : memref<512xf32, #tpu.memory_space<hbm>>) dst(%arg8 : memref<512xf32, #tpu.memory_space<vmem>>)
        tpu.yield
      }) : () -> ()
      "tpu.region"() ({
        %run_scoped3A_9 = tpu.sem_alloc : memref<!tpu.dma_semaphore, #tpu.memory_space<semaphore_mem>>
        tpu.enqueue_dma source(%arg8 : memref<512xf32, #tpu.memory_space<vmem>>) target(%arg9 : memref<512xf32, #tpu.memory_space<vmem_shared>>) target_semaphore(%run_scoped3A_9 : memref<!tpu.dma_semaphore, #tpu.memory_space<semaphore_mem>>)
        tpu.wait_dma2 semaphore(%run_scoped3A_9 : memref<!tpu.dma_semaphore, #tpu.memory_space<semaphore_mem>>) src(%arg8 : memref<512xf32, #tpu.memory_space<vmem>>) dst(%arg9 : memref<512xf32, #tpu.memory_space<vmem_shared>>)
        tpu.yield
      }) : () -> ()
    } else {
    }
    %run_scoped3A = arith.constant 0 : i32
    "tpu.region"() ({
      %run_scoped3A_9 = tpu.sem_alloc : memref<!tpu.dma_semaphore, #tpu.memory_space<semaphore_mem>>
      %dma_start3A = arith.constant 0 : i32
      %dma_start3A_10 = tpu.memref_slice %arg2[%add3A, %run_scoped3A, %dma_start3A] : memref<32x1x4096xi32, #tpu.memory_space<hbm>> -> memref<1x1x4096xi32, #tpu.memory_space<hbm>>
      %dma_start3A_11 = tpu.memref_squeeze %dma_start3A_10 : memref<1x1x4096xi32, #tpu.memory_space<hbm>> -> memref<4096xi32, #tpu.memory_space<hbm>>
      %dma_start3A_12 = arith.constant 0 : i32
      %dma_start3A_13 = tpu.memref_slice %arg2[%add3A, %run_scoped3A, %dma_start3A_12] : memref<32x1x4096xi32, #tpu.memory_space<hbm>> -> memref<1x1x4096xi32, #tpu.memory_space<hbm>>
      %dma_start3A_14 = tpu.memref_squeeze %dma_start3A_13 : memref<1x1x4096xi32, #tpu.memory_space<hbm>> -> memref<4096xi32, #tpu.memory_space<hbm>>
      tpu.enqueue_dma source(%dma_start3A_14 : memref<4096xi32, #tpu.memory_space<hbm>>) target(%arg6 : memref<4096xi32, #tpu.memory_space<vmem>>) target_semaphore(%run_scoped3A_9 : memref<!tpu.dma_semaphore, #tpu.memory_space<semaphore_mem>>)
      %dma_wait3A = arith.constant 0 : i32
      %dma_wait3A_15 = tpu.memref_slice %arg2[%add3A, %run_scoped3A, %dma_wait3A] : memref<32x1x4096xi32, #tpu.memory_space<hbm>> -> memref<1x1x4096xi32, #tpu.memory_space<hbm>>
      %dma_wait3A_16 = tpu.memref_squeeze %dma_wait3A_15 : memref<1x1x4096xi32, #tpu.memory_space<hbm>> -> memref<4096xi32, #tpu.memory_space<hbm>>
      %dma_wait3A_17 = arith.constant 0 : i32
      %dma_wait3A_18 = tpu.memref_slice %arg2[%add3A, %run_scoped3A, %dma_wait3A_17] : memref<32x1x4096xi32, #tpu.memory_space<hbm>> -> memref<1x1x4096xi32, #tpu.memory_space<hbm>>
      %dma_wait3A_19 = tpu.memref_squeeze %dma_wait3A_18 : memref<1x1x4096xi32, #tpu.memory_space<hbm>> -> memref<4096xi32, #tpu.memory_space<hbm>>
      tpu.wait_dma2 semaphore(%run_scoped3A_9 : memref<!tpu.dma_semaphore, #tpu.memory_space<semaphore_mem>>) src(%dma_wait3A_19 : memref<4096xi32, #tpu.memory_space<hbm>>) dst(%arg6 : memref<4096xi32, #tpu.memory_space<vmem>>)
      tpu.yield
    }) : () -> ()
    "tpu.region"() ({
      %run_scoped3A_9 = tpu.sem_alloc : memref<!tpu.dma_semaphore, #tpu.memory_space<semaphore_mem>>
      tpu.enqueue_dma source(%arg3 : memref<4096xf32, #tpu.memory_space<hbm>>) target(%arg7 : memref<4096xf32, #tpu.memory_space<vmem>>) target_semaphore(%run_scoped3A_9 : memref<!tpu.dma_semaphore, #tpu.memory_space<semaphore_mem>>)
      tpu.wait_dma2 semaphore(%run_scoped3A_9 : memref<!tpu.dma_semaphore, #tpu.memory_space<semaphore_mem>>) src(%arg3 : memref<4096xf32, #tpu.memory_space<hbm>>) dst(%arg7 : memref<4096xf32, #tpu.memory_space<vmem>>)
      tpu.yield
    }) : () -> ()
    %barrier3A = arith.constant 0 : index
    tpu.barrier barrier_id(%barrier3A)
    "tpu.region"() ({
      %run_scoped3A_9 = tpu.sem_alloc : memref<!tpu.dma_semaphore, #tpu.memory_space<semaphore_mem>>
      %dma_start3A = arith.constant 0 : i32
      %dma_start3A_10 = tpu.memref_slice %arg9[%dma_start3A] : memref<512xf32, #tpu.memory_space<vmem_shared>> -> memref<512xf32, #tpu.memory_space<vmem_shared>>
      tpu.enqueue_indirect_dma source(%arg7 : memref<4096xf32, #tpu.memory_space<vmem>>) target(%dma_start3A_10 : memref<512xf32, #tpu.memory_space<vmem_shared>>) offsets(%arg6 : memref<4096xi32, #tpu.memory_space<vmem>>) semaphore(%run_scoped3A_9 : memref<!tpu.dma_semaphore, #tpu.memory_space<semaphore_mem>>) {add = true}
      %dma_wait3A = arith.constant 0 : i32
      %dma_wait3A_11 = tpu.memref_slice %arg9[%dma_wait3A] : memref<512xf32, #tpu.memory_space<vmem_shared>> -> memref<512xf32, #tpu.memory_space<vmem_shared>>
      tpu.wait_indirect_dma semaphore(%run_scoped3A_9 : memref<!tpu.dma_semaphore, #tpu.memory_space<semaphore_mem>>) src(%arg7 : memref<4096xf32, #tpu.memory_space<vmem>>) dst(%dma_wait3A_11 : memref<512xf32, #tpu.memory_space<vmem_shared>>)
      tpu.yield
    }) : () -> ()
    %barrier3A_3 = arith.constant 0 : index
    tpu.barrier barrier_id(%barrier3A_3)
    %eq3A_4 = arith.constant 0 : i32
    %eq3A_5 = arith.cmpi eq, %arg1, %eq3A_4 : i32
    %convert_element_type3A_6 = arith.extui %eq3A_5 : i1 to i32
    %cond3A_7 = arith.constant 0 : i32
    %cond3A_8 = arith.cmpi ne, %convert_element_type3A_6, %cond3A_7 : i32
    scf.if %cond3A_8 {
      "tpu.region"() ({
        %run_scoped3A_9 = tpu.sem_alloc : memref<!tpu.dma_semaphore, #tpu.memory_space<semaphore_mem>>
        tpu.enqueue_dma source(%arg9 : memref<512xf32, #tpu.memory_space<vmem_shared>>) target(%arg8 : memref<512xf32, #tpu.memory_space<vmem>>) target_semaphore(%run_scoped3A_9 : memref<!tpu.dma_semaphore, #tpu.memory_space<semaphore_mem>>)
        tpu.wait_dma2 semaphore(%run_scoped3A_9 : memref<!tpu.dma_semaphore, #tpu.memory_space<semaphore_mem>>) src(%arg9 : memref<512xf32, #tpu.memory_space<vmem_shared>>) dst(%arg8 : memref<512xf32, #tpu.memory_space<vmem>>)
        tpu.yield
      }) : () -> ()
      "tpu.region"() ({
        %run_scoped3A_9 = tpu.sem_alloc : memref<!tpu.dma_semaphore, #tpu.memory_space<semaphore_mem>>
        %dma_start3A = arith.constant 0 : i32
        %dma_start3A_10 = tpu.memref_slice %arg5[%arg0, %dma_start3A] : memref<2x512xf32, #tpu.memory_space<hbm>> -> memref<1x512xf32, #tpu.memory_space<hbm>>
        %dma_start3A_11 = tpu.memref_squeeze %dma_start3A_10 : memref<1x512xf32, #tpu.memory_space<hbm>> -> memref<512xf32, #tpu.memory_space<hbm>>
        %dma_start3A_12 = arith.constant 0 : i32
        %dma_start3A_13 = tpu.memref_slice %arg5[%arg0, %dma_start3A_12] : memref<2x512xf32, #tpu.memory_space<hbm>> -> memref<1x512xf32, #tpu.memory_space<hbm>>
        %dma_start3A_14 = tpu.memref_squeeze %dma_start3A_13 : memref<1x512xf32, #tpu.memory_space<hbm>> -> memref<512xf32, #tpu.memory_space<hbm>>
        tpu.enqueue_dma source(%arg8 : memref<512xf32, #tpu.memory_space<vmem>>) target(%dma_start3A_14 : memref<512xf32, #tpu.memory_space<hbm>>) target_semaphore(%run_scoped3A_9 : memref<!tpu.dma_semaphore, #tpu.memory_space<semaphore_mem>>)
        %dma_wait3A = arith.constant 0 : i32
        %dma_wait3A_15 = tpu.memref_slice %arg5[%arg0, %dma_wait3A] : memref<2x512xf32, #tpu.memory_space<hbm>> -> memref<1x512xf32, #tpu.memory_space<hbm>>
        %dma_wait3A_16 = tpu.memref_squeeze %dma_wait3A_15 : memref<1x512xf32, #tpu.memory_space<hbm>> -> memref<512xf32, #tpu.memory_space<hbm>>
        %dma_wait3A_17 = arith.constant 0 : i32
        %dma_wait3A_18 = tpu.memref_slice %arg5[%arg0, %dma_wait3A_17] : memref<2x512xf32, #tpu.memory_space<hbm>> -> memref<1x512xf32, #tpu.memory_space<hbm>>
        %dma_wait3A_19 = tpu.memref_squeeze %dma_wait3A_18 : memref<1x512xf32, #tpu.memory_space<hbm>> -> memref<512xf32, #tpu.memory_space<hbm>>
        tpu.wait_dma2 semaphore(%run_scoped3A_9 : memref<!tpu.dma_semaphore, #tpu.memory_space<semaphore_mem>>) src(%arg8 : memref<512xf32, #tpu.memory_space<vmem>>) dst(%dma_wait3A_19 : memref<512xf32, #tpu.memory_space<hbm>>)
        tpu.yield
      }) : () -> ()
    } else {
    }
    return
  }
}

module attributes {stable_mosaic.version = 14 : i64} {
  func.func @_vq_body(%arg0: i32, %arg1: memref<1x64x64x64xf32, #tpu.memory_space<vmem>>, %arg2: memref<512x64xf32, #tpu.memory_space<vmem>>, %arg3: memref<512x1xf32, #tpu.memory_space<vmem>>, %arg4: memref<512x64xf32, #tpu.memory_space<vmem>>, %arg5: memref<1x64x64x64xf32, #tpu.memory_space<vmem>>, %arg6: memref<1x1xf32, #tpu.memory_space<vmem>>, %arg7: memref<1x1x4096xi32, #tpu.memory_space<vmem>>) attributes {dimension_semantics = [#tpu.dimension_semantics<arbitrary>], iteration_bounds = array<i64: 32>, scalar_prefetch = 0 : i64, scratch_operands = 0 : i64, tpu.core_type = #tpu.core_type<tc>, window_params = [{transform_indices = @transform_0, window_bounds = array<i64: 1, 64, 64, 64>}, {pipeline_mode = #tpu.pipeline_mode<synchronous>, transform_indices = @transform_1, window_bounds = array<i64: 512, 64>}, {pipeline_mode = #tpu.pipeline_mode<synchronous>, transform_indices = @transform_2, window_bounds = array<i64: 512, 1>}, {pipeline_mode = #tpu.pipeline_mode<synchronous>, transform_indices = @transform_3, window_bounds = array<i64: 512, 64>}, {transform_indices = @transform_4, window_bounds = array<i64: 1, 64, 64, 64>}, {pipeline_mode = #tpu.pipeline_mode<synchronous>, transform_indices = @transform_5, window_bounds = array<i64: 1, 1>}, {transform_indices = @transform_6, window_bounds = array<i64: 1, 1, 4096>}]} {
    %get3A = arith.constant 0 : index
    %get3A_0 = arith.constant 0 : index
    %get3A_1 = arith.constant 0 : index
    %get3A_2 = arith.constant 0 : index
    %get3A_3 = vector.load %arg1[%get3A, %get3A_0, %get3A_1, %get3A_2] : memref<1x64x64x64xf32, #tpu.memory_space<vmem>>, vector<1x64x64x64xf32>
    %get3A_4 = vector.shape_cast %get3A_3 : vector<1x64x64x64xf32> to vector<64x64x64xf32>
    %reshape3A = vector.shape_cast %get3A_4 : vector<64x64x64xf32> to vector<64x4096xf32>
    %get3A_5 = arith.constant 0 : index
    %get3A_6 = arith.constant 0 : index
    %get3A_7 = vector.load %arg2[%get3A_5, %get3A_6] : memref<512x64xf32, #tpu.memory_space<vmem>>, vector<512x64xf32>
    %get3A_8 = arith.constant 0 : index
    %get3A_9 = arith.constant 0 : index
    %get3A_10 = vector.load %arg3[%get3A_8, %get3A_9] : memref<512x1xf32, #tpu.memory_space<vmem>>, vector<512x1xf32>
    %dot_general3A = arith.constant dense<0.000000e+00> : vector<512x4096xf32>
    %dot_general3A_11 = tpu.matmul %get3A_7, %reshape3A, %dot_general3A {dimension_numbers = #tpu.dot_dimension_numbers<[1], [0], [0], [1], [0, 0, 1, 1], [], []>, transpose_lhs_hint = false} : vector<512x64xf32>, vector<64x4096xf32>, vector<512x4096xf32> -> vector<512x4096xf32>
    %add3A = vector.broadcast %get3A_10 : vector<512x1xf32> to vector<512x4096xf32>
    %add3A_12 = arith.addf %dot_general3A_11, %add3A : vector<512x4096xf32>
    %argmin3A = tpu.reduce_index %add3A_12 {axis = 0 : i32, kind = #tpu.reduction_kind<arg_min>} : vector<512x4096xf32> -> vector<4096xi32>
    %broadcast_in_dim3A = vector.shape_cast %argmin3A : vector<4096xi32> to vector<1x4096xi32>
    %swap3A = arith.constant 0 : index
    %swap3A_13 = arith.constant 0 : index
    %swap3A_14 = arith.constant 0 : index
    %swap3A_15 = vector.load %arg7[%swap3A, %swap3A_13, %swap3A_14] : memref<1x1x4096xi32, #tpu.memory_space<vmem>>, vector<1x1x4096xi32>
    %swap3A_16 = vector.shape_cast %swap3A_15 : vector<1x1x4096xi32> to vector<1x4096xi32>
    %swap3A_17 = vector.shape_cast %broadcast_in_dim3A : vector<1x4096xi32> to vector<1x1x4096xi32>
    tpu.vector_store %arg7[%swap3A, %swap3A_13, %swap3A_14], %swap3A_17 {strides = array<i32>} : memref<1x1x4096xi32, #tpu.memory_space<vmem>>, vector<1x1x4096xi32>,
    %iota3A = tpu.iota {dimensions = array<i32: 0>} : vector<512x4096xi32>
    %eq3A = vector.broadcast %broadcast_in_dim3A : vector<1x4096xi32> to vector<512x4096xi32>
    %eq3A_18 = arith.cmpi eq, %iota3A, %eq3A : vector<512x4096xi32>
    %convert_element_type3A = arith.extui %eq3A_18 : vector<512x4096xi1> to vector<512x4096xi32>
    %convert_element_type3A_19 = arith.sitofp %convert_element_type3A : vector<512x4096xi32> to vector<512x4096xf32>
    %get3A_20 = arith.constant 0 : index
    %get3A_21 = arith.constant 0 : index
    %get3A_22 = vector.load %arg4[%get3A_20, %get3A_21] : memref<512x64xf32, #tpu.memory_space<vmem>>, vector<512x64xf32>
    %dot_general3A_23 = arith.constant dense<0.000000e+00> : vector<64x4096xf32>
    %dot_general3A_24 = tpu.matmul %get3A_22, %convert_element_type3A_19, %dot_general3A_23 {dimension_numbers = #tpu.dot_dimension_numbers<[0], [0], [1], [1], [0, 1, 1, 1], [], []>, transpose_lhs_hint = false} : vector<512x64xf32>, vector<512x4096xf32>, vector<64x4096xf32> -> vector<64x4096xf32>
    %reshape3A_25 = vector.shape_cast %dot_general3A_24 : vector<64x4096xf32> to vector<64x64x64xf32>
    %swap3A_26 = arith.constant 0 : index
    %swap3A_27 = arith.constant 0 : index
    %swap3A_28 = arith.constant 0 : index
    %swap3A_29 = arith.constant 0 : index
    %swap3A_30 = vector.load %arg5[%swap3A_26, %swap3A_27, %swap3A_28, %swap3A_29] : memref<1x64x64x64xf32, #tpu.memory_space<vmem>>, vector<1x64x64x64xf32>
    %swap3A_31 = vector.shape_cast %swap3A_30 : vector<1x64x64x64xf32> to vector<64x64x64xf32>
    %swap3A_32 = vector.shape_cast %reshape3A_25 : vector<64x64x64xf32> to vector<1x64x64x64xf32>
    tpu.vector_store %arg5[%swap3A_26, %swap3A_27, %swap3A_28, %swap3A_29], %swap3A_32 {strides = array<i32>} : memref<1x64x64x64xf32, #tpu.memory_space<vmem>>, vector<1x64x64x64xf32>,
    %sub3A = arith.subf %reshape3A, %dot_general3A_24 : vector<64x4096xf32>
    %mul3A = arith.mulf %sub3A, %sub3A : vector<64x4096xf32>
    %reduce_sum3A = vector.shape_cast %mul3A : vector<64x4096xf32> to vector<1x64x4096xf32>
    %reduce_sum3A_33 = arith.constant dense<0.000000e+00> : vector<1xf32>
    %reduce_sum3A_34 = vector.multi_reduction <add>, %reduce_sum3A, %reduce_sum3A_33 [1, 2] : vector<1x64x4096xf32> to vector<1xf32>
    %reduce_sum3A_35 = vector.shape_cast %reduce_sum3A_34 : vector<1xf32> to vector<1x1x1xf32>
    %reduce_sum3A_36 = vector.extract %reduce_sum3A_35[0, 0, 0] : f32 from vector<1x1x1xf32>
    %eq3A_37 = arith.constant 0 : i32
    %eq3A_38 = arith.cmpi eq, %arg0, %eq3A_37 : i32
    %convert_element_type3A_39 = arith.extui %eq3A_38 : i1 to i32
    %cond3A = arith.constant 0 : i32
    %cond3A_40 = arith.cmpi ne, %convert_element_type3A_39, %cond3A : i32
    scf.if %cond3A_40 {
      %broadcast_in_dim3A_49 = arith.constant 0.000000e+00 : f32
      %broadcast_in_dim3A_50 = vector.broadcast %broadcast_in_dim3A_49 : f32 to vector<1x1xf32>
      %swap3A_51 = arith.constant 0 : index
      %swap3A_52 = arith.constant 0 : index
      %swap3A_53 = vector.load %arg6[%swap3A_51, %swap3A_52] : memref<1x1xf32, #tpu.memory_space<vmem>>, vector<1x1xf32>
      tpu.vector_store %arg6[%swap3A_51, %swap3A_52], %broadcast_in_dim3A_50 {strides = array<i32>} : memref<1x1xf32, #tpu.memory_space<vmem>>, vector<1x1xf32>,
    } else {
    }
    %get3A_41 = arith.constant 0 : index
    %get3A_42 = arith.constant 0 : index
    %get3A_43 = vector.load %arg6[%get3A_41, %get3A_42] : memref<1x1xf32, #tpu.memory_space<vmem>>, vector<1x1xf32>
    %reshape3A_44 = vector.broadcast %reduce_sum3A_36 : f32 to vector<1x1xf32>
    %add3A_45 = arith.addf %get3A_43, %reshape3A_44 : vector<1x1xf32>
    %swap3A_46 = arith.constant 0 : index
    %swap3A_47 = arith.constant 0 : index
    %swap3A_48 = vector.load %arg6[%swap3A_46, %swap3A_47] : memref<1x1xf32, #tpu.memory_space<vmem>>, vector<1x1xf32>
    tpu.vector_store %arg6[%swap3A_46, %swap3A_47], %add3A_45 {strides = array<i32>} : memref<1x1xf32, #tpu.memory_space<vmem>>, vector<1x1xf32>,
    return
  }
  func.func @transform_0(%arg0: i32) -> (i32, i32, i32, i32) {
    %c0_i32 = arith.constant 0 : i32
    %c0_i32_0 = arith.constant 0 : i32
    %c0_i32_1 = arith.constant 0 : i32
    %c0_i32_2 = arith.constant 0 : i32
    return %arg0, %c0_i32, %c0_i32_0, %c0_i32_1 : i32, i32, i32, i32
  }
  func.func @transform_1(%arg0: i32) -> (i32, i32) {
    %c0_i32 = arith.constant 0 : i32
    %c0_i32_0 = arith.constant 0 : i32
    %c0_i32_1 = arith.constant 0 : i32
    return %c0_i32, %c0_i32_0 : i32, i32
  }
  func.func @transform_2(%arg0: i32) -> (i32, i32) {
    %c0_i32 = arith.constant 0 : i32
    %c0_i32_0 = arith.constant 0 : i32
    %c0_i32_1 = arith.constant 0 : i32
    return %c0_i32, %c0_i32_0 : i32, i32
  }
  func.func @transform_3(%arg0: i32) -> (i32, i32) {
    %c0_i32 = arith.constant 0 : i32
    %c0_i32_0 = arith.constant 0 : i32
    %c0_i32_1 = arith.constant 0 : i32
    return %c0_i32, %c0_i32_0 : i32, i32
  }
  func.func @transform_4(%arg0: i32) -> (i32, i32, i32, i32) {
    %c0_i32 = arith.constant 0 : i32
    %c0_i32_0 = arith.constant 0 : i32
    %c0_i32_1 = arith.constant 0 : i32
    %c0_i32_2 = arith.constant 0 : i32
    return %arg0, %c0_i32, %c0_i32_0, %c0_i32_1 : i32, i32, i32, i32
  }
  func.func @transform_5(%arg0: i32) -> (i32, i32) {
    %c0_i32 = arith.constant 0 : i32
    %c0_i32_0 = arith.constant 0 : i32
    %c0_i32_1 = arith.constant 0 : i32
    return %c0_i32, %c0_i32_0 : i32, i32
  }
  func.func @transform_6(%arg0: i32) -> (i32, i32, i32) {
    %c0_i32 = arith.constant 0 : i32
    %c0_i32_0 = arith.constant 0 : i32
    %c0_i32_1 = arith.constant 0 : i32
    return %arg0, %c0_i32, %c0_i32_0 : i32, i32, i32
  }
}

</mosaic_0001>

<sc_bundles>
// kernel: kernel.4.cloned.1.call-start
scs
__scs_entry_jumppad:
0x0: {  	(pc) =	sbr.rel $0x88, $3  }
0x1: {  	(tag) =	ssettag $0x0;
	lr =	simm.s32 $0x1  }
0x2: {  	[smem:$0x3F9F] =	sst lr;
	_ =	strace $0xD0000000  }
0x3: {  	_ = 	snop  }
0x4: {  	_ = 	snop  }
0x5: {  	_ = 	snop  }
0x6: {  	_ = 	snop  }
0x7: {  	_ = 	snop  }
__scs_overlays_trampoline_lowered:
0x8: {  	[smem:$0x3FAE] =	sst s0  }
0x9: {  	[smem:$0x3FAF] =	sst s1  }
0xa: {  	[smem:$0x3FB0] =	sst s2  }
0xb: {  	[smem:$0x3FB1] =	sst s3  }
0xc: {  	[smem:$0x3FB2] =	sst s4  }
0xd: {  	[smem:$0x3FB3] =	sst s5  }
0xe: {  	[smem:$0x3FB4] =	sst s6  }
0xf: {  	[smem:$0x3FB5] =	sst s7  }
0x10: {  	[smem:$0x3FB6] =	sst s8  }
0x11: {  	[smem:$0x3FB7] =	sst s9;
	s0 =	simm.s32 @!p0 $0x0  }
0x12: {  	s1 =	sld [smem:$0x3F9D];
	s0 =	simm.s32 @p0 $0x1  }
0x13: {  	[smem:$0x3FB8] =	sst s0;
	s0 =	simm.s32 @!p1 $0x0  }
0x14: {  	s2 =	sld [smem:$0x3F9C];
	s0 =	simm.s32 @p1 $0x1  }
0x15: {  	[smem:$0x3FB9] =	sst s0;
	s0 =	simm.s32 @!p2 $0x0  }
0x16: {  	s3 =	sld [smem:$0x3FDB];
	s0 =	simm.s32 @p2 $0x1  }
0x17: {  	s4 =	simm.s32 $0x1BF5;
	[smem:$0x3FBB] =	sst s0  }
0x18: {  	s0 =	sld [smem:$0x3F9E];
	_ =	swait.ge [sflag:s4], $0x0  }
0x19: {  	s7 =	sld [smem:$0x3F9F]  }
0x1a: {  	s8 =	sadd.s32 $0xFFFFE003, lr  }
0x1b: {  	s9 =	sadd.s32 $0xFFFFFEF7, lr;
	s5 =	simm.s32 $0xFFFFFFFF;
	p2 =	slt.u32 s8, $0xFFFFF086  }
0x1c: {  	p1 =	slt.u32 s9, $0xF7A;
	s5 =	simm.s32 @!p2 $0x0  }
0x1d: {  	s5 =	simm.s32 @p1 $0x1;
	p0 =	seq.s32 s7, s2  }
0x1e: {  	s7 =	smul.u32 @!p0 $0xF7A, s2;
	p2 =	seq.s32 @!p0 s5, $0x0  }
0x1f: {  	s9 =	smul.u32 $0xF7A, s1;
	s8 =	simm.s32 @!p0 $0x1BF5;
	p2 =	por !p2, p0  }
0x20: {  	[sflag:s8] =	ssyncset.s32 @!p0 $0xFFFFF086;
	s6 =	sadd.s32 @!p0 s3, s7;
	s7 =	simm.s32 @!p0 $0x108  }
0x21: {  	s3 =	sadd.s32 s3, s9;
	s6 =	sadd.s32 @!p0 $0x88, s6;
	s7 =	simm.s32 @p2 $0x1082  }
0x22: {  	[simem:s7], [sflag:s8] =	dma.local @!p0 [hbm:s6], $0xF7A  }
0x23: {  	s9 =	sor.u32 $0xD0000000, s2;
	s6 =	simm.s32 $0x108;
	_ =	swait.ge @!p0 [sflag:s8], $0x0  }
0x24: {  	s3 =	sadd.s32 $0x88, s3;
	s6 =	simm.s32 @!p1 $0x1082;
	[sflag:s4] =	ssyncset.s32 $0xFFFFF086  }
0x25: {  	[simem:s6], [sflag:s4] =	dma.local [hbm:s3], $0xF7A  }
0x26: {  	[smem:$0x3F9F] =	sst s1;
	(tag) =	ssettag s2;
	_ =	strace s9  }
0x27: {  	s1 =	sld [smem:$0x3FAF]  }
0x28: {  	s2 =	sld [smem:$0x3FB0]  }
0x29: {  	s4 =	sld [smem:$0x3FB2]  }
0x2a: {  	p0 =	seq.s32 s5, $0x0;
	s5 =	sld [smem:$0x3FB3]  }
0x2b: {  	s6 =	sld [smem:$0x3FB4]  }
0x2c: {  	s7 =	sld [smem:$0x3FB5]  }
0x2d: {  	s3 =	simm.s32 $0x108;
	s8 =	sld [smem:$0x3FB6]  }
0x2e: {  	s3 =	simm.s32 @!p0 $0x1082;
	s9 =	sld [smem:$0x3FB7]  }
0x2f: {  	lr =	sadd.s32 s0, s3;
	s0 =	sld [smem:$0x3FAE]  }
0x30: {  	s3 =	sld [smem:$0x3FB1]  }
0x31: {  	[smem:$0x3FBA] =	sst s10  }
0x32: {  	s10 =	sld [smem:$0x3FB8];
	_ =	sdelay $0x3  }
0x33: {  	p0 =	seq.s32 s10, $0x1;
	s10 =	sld [smem:$0x3FBA];
	_ =	sdelay $0x3  }
0x34: {  	[smem:$0x3FBA] =	sst s10  }
0x35: {  	s10 =	sld [smem:$0x3FB9];
	_ =	sdelay $0x3  }
0x36: {  	p1 =	seq.s32 s10, $0x1;
	s10 =	sld [smem:$0x3FBA];
	_ =	sdelay $0x3  }
0x37: {  	[smem:$0x3FBA] =	sst s10  }
0x38: {  	s10 =	sld [smem:$0x3FBB]  }
0x39: {  	_ = 	snop;
	(pc) =	sbr.ind lr, $3  }
0x3a: {  	_ = 	snop  }
0x3b: {  	_ = 	snop  }
0x3c: {  	p2 =	seq.s32 s10, $0x1;
	s10 =	sld [smem:$0x3FBA]  }
0x3d: {  	_ =	shalt  }
0x3e: {  	_ =	shalt  }
0x3f: {  	_ =	shalt  }
0x40: {  	_ =	shalt  }
0x41: {  	_ =	shalt  }
0x42: {  	_ =	shalt  }
0x43: {  	_ =	shalt  }
0x44: {  	_ =	shalt  }
0x45: {  	_ =	shalt  }
0x46: {  	_ =	shalt  }
0x47: {  	_ =	shalt  }
0x48: {  	_ =	shalt  }
0x49: {  	_ =	shalt  }
0x4a: {  	_ =	shalt  }
0x4b: {  	_ =	shalt  }
0x4c: {  	_ =	shalt  }
0x4d: {  	_ =	shalt  }
0x4e: {  	_ =	shalt  }
0x4f: {  	_ =	shalt  }
0x50: {  	_ =	shalt  }
0x51: {  	_ =	shalt  }
0x52: {  	_ =	shalt  }
0x53: {  	_ =	shalt  }
0x54: {  	_ =	shalt  }
0x55: {  	_ =	shalt  }
0x56: {  	_ =	shalt  }
0x57: {  	_ =	shalt  }
0x58: {  	_ =	shalt  }
0x59: {  	_ =	shalt  }
0x5a: {  	_ =	shalt  }
0x5b: {  	_ =	shalt  }
0x5c: {  	_ =	shalt  }
0x5d: {  	_ =	shalt  }
0x5e: {  	_ =	shalt  }
0x5f: {  	_ =	shalt  }
0x60: {  	_ =	shalt  }
0x61: {  	_ =	shalt  }
0x62: {  	_ =	shalt  }
0x63: {  	_ =	shalt  }
0x64: {  	_ =	shalt  }
0x65: {  	_ =	shalt  }
0x66: {  	_ =	shalt  }
0x67: {  	_ =	shalt  }
0x68: {  	_ =	shalt  }
0x69: {  	_ =	shalt  }
0x6a: {  	_ =	shalt  }
0x6b: {  	_ =	shalt  }
0x6c: {  	_ =	shalt  }
0x6d: {  	_ =	shalt  }
0x6e: {  	_ =	shalt  }
0x6f: {  	_ =	shalt  }
0x70: {  	_ =	shalt  }
0x71: {  	_ =	shalt  }
0x72: {  	_ =	shalt  }
0x73: {  	_ =	shalt  }
0x74: {  	_ =	shalt  }
0x75: {  	_ =	shalt  }
0x76: {  	_ =	shalt  }
0x77: {  	_ =	shalt  }
0x78: {  	_ =	shalt  }
0x79: {  	_ =	shalt  }
0x7a: {  	_ =	shalt  }
0x7b: {  	_ =	shalt  }
0x7c: {  	_ =	shalt  }
0x7d: {  	_ =	shalt  }
0x7e: {  	_ =	shalt  }
0x7f: {  	_ =	shalt  }
0x80: {  	_ =	shalt  }
0x81: {  	_ =	shalt  }
0x82: {  	_ =	shalt  }
0x83: {  	_ =	shalt  }
0x84: {  	_ =	shalt  }
0x85: {  	_ =	shalt  }
0x86: {  	_ =	shalt  }
0x87: {  	_ =	shalt  }
.Lfunc_end0:
.L_simem_size_0:
called_computation_lowered:
.L_overlay_start_0:
0x88: {  	s2 =	sld [smem:$0x3FD9]  }
0x89: {  	s3 =	sld [smem:$0x3FFE];
	_ =	sdelay $0x1  }
0x8a: {  	s1 =	srdreg.scid  }
0x8b: {  	s0 =	sand.u32 $0x1, s1  }
0x8c: {  	s16 =	sshll.u32 s0, $0xA;
	s2 =	sadd.s32 s3, s2  }
0x8d: {  	s2 =	sadd.s32 s2, s16  }
0x8e: {  	[smem:$0x3FC6] =	sst s2  }
0x8f: {  	_ = 	snop  }
0x90: {  	(tm) =	ssettm $0x1  }
0x91: {  	s17 =	sld [smem:$0x3FFB];
	_ =	sdelay $0x3  }
0x92: {  	_ =	strace s17  }
0x93: {  	s2 =	sld [smem:$0x3FFC];
	_ =	sdelay $0x3  }
0x94: {  	_ =	strace s2  }
0x95: {  	s2 =	sld [smem:$0x3FFD];
	_ =	sdelay $0x3  }
0x96: {  	_ =	strace s2  }
0x97: {  	_ =	strace $0x8FFFFFFF  }
0x98: {  	s18 =	sld [smem:$0x3FDB];
	_ =	sdelay $0x1  }
0x99: {  	s19 =	simm.s32 $_scs_section_size  }
0x9a: {  	s4 =	simm.s32 $_size__tile_overlayer_lowered;
	s5 =	simm.s32 $_tile_overlayer_lowered  }
0x9b: {  	s22 =	simm.s32 $0x1BFF;
	s21 =	sshll.u32 s5, $0x1;
	s2 =	sadd.s32 s19, s18  }
0x9c: {  	s6 =	simm.s32 $0x0;
	s20 =	sshll.u32 s4, $0x1;
	s4 =	sadd.s32 s21, s2  }
0x9d: {  	[timem:s6], [sflag:s22] =	dma.local [hbm:s4], s20  }
0x9e: {  	_ =	swait.ge [sflag:s22], s20  }
0x9f: {  	s3 =	ssub.s32 $0x0, s20;
	[sflag:s22] =	ssyncset.done $0x0  }
0xa0: {  	[sflag:s22] =	ssyncadd.s32 s3;
	_ =	sdelay $0x1  }
0xa1: {  	s23 =	simm.s32 $0x1B8B  }
0xa2: {  	_ =	swait.ge [sflag:s23], $0x1  }
0xa3: {  	[sflag:s23] =	ssyncset.done $0x0  }
0xa4: {  	s25 =	simm.s32 $0x1B8E;
	s24 =	sld [smem:$0x3FFE];
	[sflag:s23] =	ssyncadd.s32 $0xFFFFFFFF  }
0xa5: {  	s26 =	simm.s32 $execute0_lowered;
	[smem:$0x3FD2] =	sst s25  }
0xa6: {  	s4 =	sshll.u32 s26, $0x1;
	_ =	strace $0x80000046;
	[dreg:$0x1] =	wrdreg $0xFFFFFFFF  }
0xa7: {  	s28 =	simm.s32 $_size_execute0_lowered;
	s2 =	sadd.s32 s2, s4;
	[dreg:$0x0] =	wrdreg $0x0  }
0xa8: {  	s4 =	sshll.u32 s28, $0x1;
	[dreg:$0x2] =	wrdreg s2  }
0xa9: {  	[dreg:$0x3] =	wrdreg s4  }
0xaa: {  	[dreg:$0x4] =	wrdreg $0xC0  }
0xab: {  	_ =	task [dreg:s6], $0x5FFFF  }
0xac: {  	[dreg:$0x1] =	wrdreg $0xFFFFFFFF  }
0xad: {  	[dreg:$0x0] =	wrdreg $0x60  }
0xae: {  	[dreg:$0x2] =	wrdreg s24  }
0xaf: {  	[dreg:$0x3] =	wrdreg $0x22000  }
0xb0: {  	[dreg:$0x4] =	wrdreg $0x9  }
0xb1: {  	_ =	task.clear_ibuf [dreg:s6], $0x5FFFF;
	_ =	strace $0x90000046  }
0xb2: {  	s29 =	simm.s32 $0x9;
	_ =	strace $0x80000048  }
0xb3: {  	_ =	swait.ge [sflag:s29], $0x1  }
0xb4: {  	[sflag:s29] =	ssyncadd.s32 $0xFFFFFFFF  }
0xb5: {  	_ =	strace $0x90000048  }
0xb6: {  	_ =	sfence  }
0xb7: {  	s30 =	sld [smem:$0x0];
	_ =	sdelay $0x2  }
0xb8: {  	s31 =	sshll.u32 s1, $0xD;
	s1 =	sshrl.u32 s1, $0x2  }
0xb9: {  	s3 =	sand.u32 $0x4000, s31;
	s1 =	sadd.s32 s1, s30  }
0xba: {  	s0 =	sor.u32 s3, s0;
	s1 =	sshll.u32 s1, $0x11  }
0xbb: {  	s0 =	sor.u32 s1, s0  }
0xbc: {  	s0 =	sadd.s32 $0x8F2B, s0  }
0xbd: {  	[sflag:s0] =	ssyncadd.remote.s32 $0x1  }
0xbe: {  	_ =	sfence.sel $0xFFFF  }
0xbf: {  	[dreg:$0x0] =	wrdreg $0xFFFFFFFF;
	(pc) =	sbr.abs _section_cstart, $3  }
0xc0: {  	[dreg:$0x1] =	wrdreg $0xFFFFFFFF  }
0xc1: {  	_ =	task.clear_ibuf [dreg:s6], $0x2FFFF;
	_ =	strace $0x9FFFFFFF  }
0xc2: {  	(tm) =	ssettm $0x7FFFFFFF  }
0xc3: {  	_ =	shalt  }
tec
execute0_lowered:
.L_overlay_start_1:
0x0: {  	(tag) =	ssettag $0x1  }
0x1: {  	s5 =	srdreg.scid  }
0x2: {  	s5 =	sand.u32 $0x1, s5  }
0x3: {  	s7 =	ssub.s32 $0x2, s5  }
0x4: {  	s3 =	rddreg [dreg:$0x0];
	s10 =	sshrl.u32 s7, $0x1  }
0x5: {  	s1 =	rddreg [dreg:$0x1];
	s7 =	ssub.s32 s7, s10  }
0x6: {  	s0 =	rddreg [dreg:$0x2];
	s2 =	simm.s32 $0x0;
	s31 =	smax.u32 s7, $0x1  }
0x7: {  	s6 =	stileid.u32;
	p1 =	por $0x0, $0x0;
	s12 =	sadd.s32 $0xFFFFFFFF, s31  }
0x8: {  	[smem:$0x7FF] =	sst s2;
	s4 =	sadd.s32 $0x4000, s3;
	p2 =	sne.s32 s12, $0x0  }
.Ltmp0:
0x9: {  	s8 =	sadd.s32 $0x4200, s3;
	s11 =	sshll.u32 s6, $0x9;
	(pc) =	sbr.rel @!p2 .LBB2_1-.Ltmp0, $4  }
0xa: {  	p0 =	sne.s32 s6, $0x0;
	s6 =	simm.s32 $0x1;
	_ =	strace $0x80000047  }
0xb: {  	s9 =	sshll.u32 s5, $0x4;
	s5 =	sshll.u32 s5, $0xD;
	s30 =	sadd.s32 s3, s11  }
0xc: {  	s3 =	sadd.s32 s9, s3;
	s9 =	sadd.s32 s5, s30;
	s5 =	simm.s32 @!p0 $0x1  }
0xd: {  	s3 =	sadd.s32 $0x4400, s3;
	s10 =	simm.s32 @!p0 $0x0;
	s7 =	simm.s32 $0x1000  }
0xe: {  	s11 =	simm.s32 @!p0 $0x2000  }
0xf: {  	[tilespmem:s11], [sflag:$0x1] =	stream.linear.gather @!p0 [hbm4b:s8+s10], $0x200, $0x38;
	[tilespmem:$0x2220] =	vst v63  }
0x10: {  	_ =	swait.ge @!p0 [sflag:s5], $0x200  }
0x11: {  	[sflag:s5] =	ssyncset.done @!p0 $0x0  }
0x12: {  	[sflag:s5] =	ssyncadd.s32 @!p0 $0xFFFFFE00  }
0x13: {  	[spmem:s1] =	stream.linear.scatter @!p0 [tilespmem:s11], [sflag:$0x1], $0x200, $0x38;
	[tilespmem:$0x2220] =	vst v63  }
0x14: {  	_ =	swait.ge @!p0 [sflag:s5], $0x200  }
0x15: {  	[sflag:s5] =	ssyncset.done @!p0 $0x0  }
0x16: {  	[sflag:s5] =	ssyncadd.s32 @!p0 $0xFFFFFE00  }
0x17: {  	[tilespmem:s2], [sflag:$0x1] =	stream.linear.gather [hbm4b:s9+s2], $0x1000, $0x38;
	[tilespmem:$0x2220] =	vst v63  }
0x18: {  	_ =	swait.ge [sflag:s6], $0x1000  }
0x19: {  	[sflag:s6] =	ssyncset.done $0x0  }
0x1a: {  	[sflag:s6] =	ssyncadd.s32 $0xFFFFF000  }
0x1b: {  	[tilespmem:s7], [sflag:$0x1] =	stream.linear.gather [hbm4b:s4+s2], $0x1000, $0x38;
	[tilespmem:$0x2220] =	vst v63  }
0x1c: {  	_ =	swait.ge [sflag:s6], $0x1000  }
0x1d: {  	[sflag:s6] =	ssyncset.done $0x0  }
0x1e: {  	[sflag:s6] =	ssyncadd.s32 $0xFFFFF000  }
0x1f: {  	[bflag:$0x0] =	sbarrier.arrive $0xFFFF  }
0x20: {  	[spmem:s1] =	stream.indirect.scatter.add.f32 [tilespmem:s7], [sflag:$0x1], $0x1, s2, s7, $0xb8;
	[tilespmem:$0x2220] =	vst v63  }
0x21: {  	_ =	swait.ge [sflag:s6], $0x1000  }
0x22: {  	[sflag:s6] =	ssyncset.done $0x0  }
0x23: {  	[sflag:s6] =	ssyncadd.s32 $0xFFFFF000  }
0x24: {  	s12 =	sadd.s32 $0xFFFFFFFF, s12;
	[bflag:$0x0] =	sbarrier.arrive $0xFFFF  }
0x25: {  	[tilespmem:s11], [sflag:$0x1] =	stream.linear.gather @!p0 [spmem:s1], $0x200, $0x38;
	[tilespmem:$0x2220] =	vst v63  }
0x26: {  	p2 =	sne.s32 s12, $0x0;
	_ =	swait.ge @!p0 [sflag:s5], $0x200  }
.Ltmp1:
0x27: {  	[sflag:s5] =	ssyncset.done @!p0 $0x0;
	(pc) =	sbr.rel @!p2 .LBB2_3-.Ltmp1, $4  }
0x28: {  	s13 =	simm.s32 @!p0 $0x80;
	s14 =	simm.s32 @!p0 $0x100;
	[sflag:s5] =	ssyncadd.s32 @!p0 $0xFFFFFE00  }
0x29: {  	[hbm4b:s3+s13] =	stream.strided.scatter @!p0 [tilespmem:s11], [sflag:$0x1], $0x200, s14, s13, $0x38;
	[tilespmem:$0x2220] =	vst v63  }
0x2a: {  	_ =	swait.ge @!p0 [sflag:s5], $0x200  }
0x2b: {  	p1 =	por $0x1, $0x1;
	s15 =	simm.s32 @!p0 $0x1;
	[sflag:s5] =	ssyncset.done @!p0 $0x0  }
.LBB2_4:
0x2c: {  	s16 =	simm.s32 @!p0 $0x0;
	[sflag:s15] =	ssyncadd.s32 @!p0 $0xFFFFFE00  }
0x2d: {  	[tilespmem:s11], [sflag:$0x1] =	stream.linear.gather @!p0 [hbm4b:s8+s10], $0x200, $0x38;
	[tilespmem:$0x2220] =	vst v63  }
0x2e: {  	s12 =	sadd.s32 $0xFFFFFFFF, s12;
	s10 =	smov.u32 s16;
	_ =	swait.ge @!p0 [sflag:s5], $0x200  }
0x2f: {  	s15 =	smov.u32 s5;
	p2 =	sne.s32 s12, $0x0;
	[sflag:s5] =	ssyncset.done @!p0 $0x0  }
0x30: {  	[sflag:s15] =	ssyncadd.s32 @!p0 $0xFFFFFE00  }
0x31: {  	[spmem:s1] =	stream.linear.scatter @!p0 [tilespmem:s11], [sflag:$0x1], $0x200, $0x38;
	[tilespmem:$0x2220] =	vst v63  }
0x32: {  	_ =	swait.ge @!p0 [sflag:s15], $0x200  }
0x33: {  	[sflag:s15] =	ssyncset.done @!p0 $0x0  }
0x34: {  	[sflag:s15] =	ssyncadd.s32 @!p0 $0xFFFFFE00  }
0x35: {  	[tilespmem:s2], [sflag:$0x1] =	stream.linear.gather [hbm4b:s9+s2], $0x1000, $0x38;
	[tilespmem:$0x2220] =	vst v63  }
0x36: {  	_ =	swait.ge [sflag:s6], $0x1000  }
0x37: {  	[sflag:s6] =	ssyncset.done $0x0  }
0x38: {  	[sflag:s6] =	ssyncadd.s32 $0xFFFFF000  }
0x39: {  	[tilespmem:s7], [sflag:$0x1] =	stream.linear.gather [hbm4b:s4+s2], $0x1000, $0x38;
	[tilespmem:$0x2220] =	vst v63  }
0x3a: {  	_ =	swait.ge [sflag:s6], $0x1000  }
0x3b: {  	[sflag:s6] =	ssyncset.done $0x0  }
0x3c: {  	[sflag:s6] =	ssyncadd.s32 $0xFFFFF000  }
0x3d: {  	[bflag:$0x0] =	sbarrier.arrive $0xFFFF  }
0x3e: {  	[spmem:s1] =	stream.indirect.scatter.add.f32 [tilespmem:s7], [sflag:$0x1], $0x1, s2, s7, $0xb8;
	[tilespmem:$0x2220] =	vst v63  }
0x3f: {  	_ =	swait.ge [sflag:s6], $0x1000  }
0x40: {  	[sflag:s6] =	ssyncset.done $0x0  }
0x41: {  	[sflag:s6] =	ssyncadd.s32 $0xFFFFF000  }
0x42: {  	[bflag:$0x0] =	sbarrier.arrive $0xFFFF  }
0x43: {  	[tilespmem:s11], [sflag:$0x1] =	stream.linear.gather @!p0 [spmem:s1], $0x200, $0x38;
	[tilespmem:$0x2220] =	vst v63  }
0x44: {  	_ =	swait.ge @!p0 [sflag:s15], $0x200  }
.Ltmp2:
0x45: {  	[sflag:s15] =	ssyncset.done @!p0 $0x0;
	(pc) =	sbr.rel @p2 .LBB2_4-.Ltmp2, $4  }
0x46: {  	[sflag:s15] =	ssyncadd.s32 @!p0 $0xFFFFFE00  }
0x47: {  	[hbm4b:s3+s13] =	stream.strided.scatter @!p0 [tilespmem:s11], [sflag:$0x1], $0x200, s14, s13, $0x38;
	[tilespmem:$0x2220] =	vst v63  }
0x48: {  	_ =	swait.ge @!p0 [sflag:s15], $0x200  }
0x49: {  	[sflag:s15] =	ssyncset.done @!p0 $0x0  }
.LBB2_5:
0x4a: {  	p1 =	por p0, !p1  }
0x4b: {  	s11 =	simm.s32 @!p0 $0x2000;
	[sflag:s15] =	ssyncadd.s32 @!p1 $0xFFFFFE00  }
0x4c: {  	[tilespmem:s11], [sflag:$0x1] =	stream.linear.gather @!p0 [hbm4b:s8+s10], $0x200, $0x38;
	[tilespmem:$0x2220] =	vst v63  }
0x4d: {  	_ =	swait.ge @!p0 [sflag:s5], $0x200  }
0x4e: {  	[sflag:s5] =	ssyncset.done @!p0 $0x0  }
0x4f: {  	[sflag:s5] =	ssyncadd.s32 @!p0 $0xFFFFFE00  }
0x50: {  	[spmem:s1] =	stream.linear.scatter @!p0 [tilespmem:s11], [sflag:$0x1], $0x200, $0x38;
	[tilespmem:$0x2220] =	vst v63  }
0x51: {  	_ =	swait.ge @!p0 [sflag:s5], $0x200  }
0x52: {  	[sflag:s5] =	ssyncset.done @!p0 $0x0  }
0x53: {  	[sflag:s5] =	ssyncadd.s32 @!p0 $0xFFFFFE00  }
0x54: {  	[tilespmem:s2], [sflag:$0x1] =	stream.linear.gather [hbm4b:s9+s2], $0x1000, $0x38;
	[tilespmem:$0x2220] =	vst v63  }
0x55: {  	_ =	swait.ge [sflag:s6], $0x1000  }
0x56: {  	[sflag:s6] =	ssyncset.done $0x0  }
0x57: {  	[sflag:s6] =	ssyncadd.s32 $0xFFFFF000  }
0x58: {  	[tilespmem:s7], [sflag:$0x1] =	stream.linear.gather [hbm4b:s4+s2], $0x1000, $0x38;
	[tilespmem:$0x2220] =	vst v63  }
0x59: {  	_ =	swait.ge [sflag:s6], $0x1000  }
0x5a: {  	[sflag:s6] =	ssyncset.done $0x0  }
0x5b: {  	[sflag:s6] =	ssyncadd.s32 $0xFFFFF000  }
0x5c: {  	[bflag:$0x0] =	sbarrier.arrive $0xFFFF  }
0x5d: {  	[spmem:s1] =	stream.indirect.scatter.add.f32 [tilespmem:s7], [sflag:$0x1], $0x1, s2, s7, $0xb8;
	[tilespmem:$0x2220] =	vst v63  }
0x5e: {  	_ =	swait.ge [sflag:s6], $0x1000  }
0x5f: {  	[sflag:s6] =	ssyncset.done $0x0  }
0x60: {  	[sflag:s6] =	ssyncadd.s32 $0xFFFFF000  }
0x61: {  	[bflag:$0x0] =	sbarrier.arrive $0xFFFF  }
0x62: {  	[tilespmem:s11], [sflag:$0x1] =	stream.linear.gather @!p0 [spmem:s1], $0x200, $0x38;
	[tilespmem:$0x2220] =	vst v63  }
0x63: {  	_ =	swait.ge @!p0 [sflag:s5], $0x200  }
0x64: {  	[sflag:s5] =	ssyncset.done @!p0 $0x0  }
0x65: {  	s2 =	simm.s32 @!p0 $0x100;
	s1 =	simm.s32 @!p0 $0x80;
	[sflag:s5] =	ssyncadd.s32 @!p0 $0xFFFFFE00  }
0x66: {  	[hbm4b:s3+s1] =	stream.strided.scatter @!p0 [tilespmem:s11], [sflag:$0x1], $0x200, s2, s1, $0x38;
	[tilespmem:$0x2220] =	vst v63  }
0x67: {  	_ =	swait.ge @!p0 [sflag:s5], $0x200  }
0x68: {  	[sflag:s5] =	ssyncset.done @!p0 $0x0  }
0x69: {  	[sflag:s5] =	ssyncadd.s32 @!p0 $0xFFFFFE00  }
0x6a: {  	_ =	sfence.sel $0x180000  }
0x6b: {  	[bflag:$0x0] =	sbarrier.arrive $0xFFFF  }
0x6c: {  	_ =	strace $0x90000047  }
0x6d: {  	s0 =	sadd.s32 @!p0 $0x100000, s0;
	[bflag:$0x2] =	sbarrier.arrive $0xFFFF  }
0x6e: {  	[sflag:s0] =	ssyncadd.tile.s32 @!p0 $0x1;
	_ =	shalt  }
.LBB2_1:
.Ltmp3:
0x6f: {  	(pc) =	sbr.rel .LBB2_5-.Ltmp3, $2  }
0x70: {  	_ =	sdelay $0x2  }
0x71: {  	_ = 	snop  }
.LBB2_3:
.Ltmp4:
0x72: {  	(pc) =	sbr.rel .LBB2_5-.Ltmp4, $2  }
0x73: {  	_ =	sdelay $0x2  }
0x74: {  	s15 =	simm.s32 @!p0 $0x1  }
.Lfunc_end2:
_tile_overlayer_lowered:
.L_overlay_start_2:
0x75: {  	(tag) =	ssettag $0x2  }
0x76: {  	s0 =	rddreg [dreg:$0x0];
	s2 =	stileid.u32  }
0x77: {  	s1 =	rddreg [dreg:$0x1];
	p0 =	sne.s32 s2, $0x0  }
0x78: {  	s3 =	rddreg [dreg:$0x2];
	[bflag:$0x3] =	sbarrier.arrive $0xFFFF;
	s2 =	simm.s32 @!p0 $0x1C01  }
0x79: {  	[timem:s3], [sflag:s2] =	dma.local @!p0 [hbm:s0], s1  }
0x7a: {  	s0 =	simm.s32 @!p0 $0x1  }
0x7b: {  	_ =	swait.ge @!p0 [sflag:s0], s1  }
0x7c: {  	s1 =	ssub.s32 @!p0 $0x0, s1;
	[sflag:s0] =	ssyncset.done @!p0 $0x0  }
0x7d: {  	[sflag:s0] =	ssyncadd.s32 @!p0 s1  }
0x7e: {  	[bflag:$0x3] =	sbarrier.arrive $0xFFFF  }
0x7f: {  	_ =	shalt  }

</sc_bundles>
